<compile_context>
chip_gen: v7x
topology: tpu7x:2x2x1
jax: 0.10.2.dev20260603
libtpu: 0.0.44.dev20260713+nightly
codegen_flags: <defaults>
</compile_context>

<pallas_src>
import functools

import jax
import jax.numpy as jnp
from jax import lax
from jax.experimental import pallas as pl
from jax.experimental.pallas import tpu as pltpu
from jax.experimental.pallas import tpu_sc as plsc


@functools.lru_cache(maxsize=None)
def _make_gather(B, D, CH):
    info = plsc.get_sparse_core_info()
    nc, ns = info.num_cores, info.num_subcores
    nw = nc * ns
    b_per_w = B // nw
    n_ch = b_per_w // CH
    assert B % (CH * nw) == 0 and CH % 8 == 0 and CH <= 128
    assert n_ch % 2 == 0
    mesh = plsc.VectorSubcoreMesh(core_axis_name="c", subcore_axis_name="s")

    @functools.partial(
        pl.kernel,
        out_type=jax.ShapeDtypeStruct((B, D), jnp.float32),
        mesh=mesh,
        scratch_types=[
            pltpu.VMEM((b_per_w,), jnp.int32),
            pltpu.VMEM((CH, D), jnp.float32),
            pltpu.VMEM((CH, D), jnp.float32),
            pltpu.SemaphoreType.DMA,
            pltpu.SemaphoreType.DMA,
        ],
    )
    def gather(table_hbm, idx_hbm, out_hbm, idx_v, rows0, rows1, sem0, sem1):
        wid = lax.axis_index("s") * nc + lax.axis_index("c")
        base = wid * b_per_w
        pltpu.sync_copy(idx_hbm.at[pl.ds(base, b_per_w)], idx_v)

        bufs = ((rows0, sem0), (rows1, sem1))

        def start(i, buf, sem):
            pltpu.async_copy(
                table_hbm.at[idx_v.at[pl.ds(i * CH, CH)]], buf, sem
            )

        def finish(i, buf, sem):
            pltpu.make_async_copy(
                table_hbm.at[idx_v.at[pl.ds(i * CH, CH)]], buf, sem
            ).wait()
            pltpu.sync_copy(buf, out_hbm.at[pl.ds(base + i * CH, CH)])

        start(0, *bufs[0])

        def body(j, carry):
            i0 = j * 2
            start(i0 + 1, *bufs[1])
            finish(i0, *bufs[0])

            @pl.when(j < n_ch // 2 - 1)
            def _():
                start(i0 + 2, *bufs[0])

            finish(i0 + 1, *bufs[1])
            return carry

        lax.fori_loop(0, n_ch // 2, body, 0)

    return gather


def _proj_body(bs, e_ref, w_ref, b_ref, o_ref):
    res = (
        lax.dot_general(
            e_ref[...],
            w_ref[...],
            dimension_numbers=(((1,), (1,)), ((), ())),
            preferred_element_type=jnp.float32,
        )
        + b_ref[...]
    )
    o_ref[...] = res.reshape(o_ref.shape)


def _project(E, W, b, bsz, seq, BB):
    B, D = E.shape
    V = W.shape[0]
    return pl.pallas_call(
        functools.partial(_proj_body, seq),
        grid=(bsz // BB,),
        in_specs=[
            pl.BlockSpec((BB * seq, D), lambda i: (i, 0)),
            pl.BlockSpec((V, D), lambda i: (0, 0)),
            pl.BlockSpec((1, V), lambda i: (0, 0)),
        ],
        out_specs=pl.BlockSpec((BB, seq, V), lambda i: (i, 0, 0)),
        out_shape=jax.ShapeDtypeStruct((bsz, seq, V), jnp.float32),
    )(E, W, b.reshape(1, V))


def kernel(input_seq, emb_table, W, b):
    bsz, seq = input_seq.shape
    v = W.shape[0]
    idx = input_seq.reshape(-1).astype(jnp.int32)
    E = _make_gather(bsz * seq, emb_table.shape[1], 80)(emb_table, idx)
    return _project(E, W, b, bsz, seq, 16)

# --- scband reference (transcript-rebuilt; emitter-appended) ---
"""Pipeline reference for scband-base-14001593385365 (READ-ONLY COPY).

The authoritative reference and input builder live on the scoring server;
editing this copy changes nothing except your own understanding.
"""

import jax, jax.numpy as jnp
import numpy as np

TOKEN_NUM = 1000
DIMS = 128
BATCH = 1024
SEQ = 50

def setup_inputs(seed: int = 0) -> dict:
    key = jax.random.key(seed)
    k1, k2, k3, k4 = jax.random.split(key, 4)
    input_seq = jax.random.randint(k1, (BATCH, SEQ), 0, TOKEN_NUM, dtype=jnp.int64 if jax.config.jax_enable_x64 else jnp.int32)
    emb_table = jax.random.normal(k2, (TOKEN_NUM, DIMS), dtype=jnp.float32)
    W = jax.random.normal(k3, (TOKEN_NUM, DIMS), dtype=jnp.float32) * (1.0 / np.sqrt(DIMS))
    b = jax.random.normal(k4, (TOKEN_NUM,), dtype=jnp.float32) * 0.01
    return {"input_seq": input_seq, "emb_table": emb_table, "W": W, "b": b}

def reference(input_seq, emb_table, W, b):
    # embedding lookup (gather)
    embeddings = jnp.take(emb_table, input_seq, axis=0)  # [B, S, D]
    # linear: out = embeddings @ W^T + b
    out = jnp.einsum('bsd,vd->bsv', embeddings, W) + b  # [B, S, V]
    return out

if __name__ == "__main__":
    import jax
    _d = setup_inputs()
    print(jax.jit(kernel)(*tuple(_d.values())))

</pallas_src>

<mosaic_0001>
#map = affine_map<(d0, d1) -> (0, 0)>
#map1 = affine_map<(d0, d1) -> (0)>
module attributes {stable_mosaic.version = 14 : i64} {
  func.func @gather(%arg0: i32, %arg1: i32, %arg2: memref<1000x128xf32, #tpu.memory_space<hbm>>, %arg3: memref<51200xi32, #tpu.memory_space<hbm>>, %arg4: memref<51200x128xf32, #tpu.memory_space<hbm>>, %arg5: memref<1600xi32, #tpu.memory_space<vmem>>, %arg6: memref<80x128xf32, #tpu.memory_space<vmem>>, %arg7: memref<80x128xf32, #tpu.memory_space<vmem>>, %arg8: memref<!tpu.dma_semaphore, #tpu.memory_space<semaphore_mem>>, %arg9: memref<!tpu.dma_semaphore, #tpu.memory_space<semaphore_mem>>) attributes {dimension_semantics = [#tpu.dimension_semantics<core_parallel>, #tpu.dimension_semantics<subcore_parallel>], iteration_bounds = array<i64: 2, 16>, scalar_prefetch = 0 : i64, scratch_operands = 5 : i64, tpu.core_type = #tpu.core_type<sc_vector_subcore>, window_params = [{transform_indices = #map}, {transform_indices = #map1}, {transform_indices = #map}]} {
    %mul3A = arith.constant 2 : i32
    %mul3A_0 = arith.muli %arg1, %mul3A : i32
    %add3A = arith.addi %mul3A_0, %arg0 : i32
    %mul3A_1 = arith.constant 1600 : i32
    %mul3A_2 = arith.muli %add3A, %mul3A_1 : i32
    "tpu.region"() ({
      %run_scoped3A = tpu.sem_alloc : memref<!tpu.dma_semaphore, #tpu.memory_space<semaphore_mem>>
      %dma_start3A_12 = tpu.memref_slice %arg3[%mul3A_2] : memref<51200xi32, #tpu.memory_space<hbm>> -> memref<1600xi32, #tpu.memory_space<hbm>>
      %dma_start3A_13 = tpu.memref_slice %arg3[%mul3A_2] : memref<51200xi32, #tpu.memory_space<hbm>> -> memref<1600xi32, #tpu.memory_space<hbm>>
      tpu.enqueue_dma source(%dma_start3A_13 : memref<1600xi32, #tpu.memory_space<hbm>>) target(%arg5 : memref<1600xi32, #tpu.memory_space<vmem>>) target_semaphore(%run_scoped3A : memref<!tpu.dma_semaphore, #tpu.memory_space<semaphore_mem>>)
      %dma_wait3A = tpu.memref_slice %arg3[%mul3A_2] : memref<51200xi32, #tpu.memory_space<hbm>> -> memref<1600xi32, #tpu.memory_space<hbm>>
      %dma_wait3A_14 = tpu.memref_slice %arg3[%mul3A_2] : memref<51200xi32, #tpu.memory_space<hbm>> -> memref<1600xi32, #tpu.memory_space<hbm>>
      tpu.wait_dma2 semaphore(%run_scoped3A : memref<!tpu.dma_semaphore, #tpu.memory_space<semaphore_mem>>) src(%dma_wait3A_14 : memref<1600xi32, #tpu.memory_space<hbm>>) dst(%arg5 : memref<1600xi32, #tpu.memory_space<vmem>>)
      tpu.yield
    }) : () -> ()
    %dma_start3A = arith.constant 0 : i32
    %dma_start3A_3 = tpu.memref_slice %arg5[%dma_start3A] : memref<1600xi32, #tpu.memory_space<vmem>> -> memref<80xi32, #tpu.memory_space<vmem>>
    %dma_start3A_4 = arith.constant 0 : i32
    %dma_start3A_5 = arith.constant 0 : i32
    %dma_start3A_6 = tpu.memref_slice %arg2[%dma_start3A_4, %dma_start3A_5] : memref<1000x128xf32, #tpu.memory_space<hbm>> -> memref<1000x128xf32, #tpu.memory_space<hbm>>
    tpu.enqueue_indirect_dma source(%dma_start3A_6 : memref<1000x128xf32, #tpu.memory_space<hbm>>) target(%arg6 : memref<80x128xf32, #tpu.memory_space<vmem>>) offsets(%dma_start3A_3 : memref<80xi32, #tpu.memory_space<vmem>>) semaphore(%arg8 : memref<!tpu.dma_semaphore, #tpu.memory_space<semaphore_mem>>)
    %scan3A = arith.constant 0 : i32
    %scan3A_7 = arith.constant 0 : i32
    %scan3A_8 = arith.constant 10 : i32
    %scan3A_9 = arith.addi %scan3A_7, %scan3A_8 : i32
    %scan3A_10 = arith.constant 1 : i32
    scf.for %scan3A_12 = %scan3A_7 to %scan3A_9 step %scan3A_10  : i32 {
      %mul3A_13 = arith.constant 2 : i32
      %mul3A_14 = arith.muli %scan3A_12, %mul3A_13 : i32
      %add3A_15 = arith.constant 1 : i32
      %add3A_16 = arith.addi %mul3A_14, %add3A_15 : i32
      %mul3A_17 = arith.constant 80 : i32
      %mul3A_18 = arith.muli %add3A_16, %mul3A_17 : i32
      %dma_start3A_19 = tpu.memref_slice %arg5[%mul3A_18] : memref<1600xi32, #tpu.memory_space<vmem>> -> memref<80xi32, #tpu.memory_space<vmem>>
      %dma_start3A_20 = arith.constant 0 : i32
      %dma_start3A_21 = arith.constant 0 : i32
      %dma_start3A_22 = tpu.memref_slice %arg2[%dma_start3A_20, %dma_start3A_21] : memref<1000x128xf32, #tpu.memory_space<hbm>> -> memref<1000x128xf32, #tpu.memory_space<hbm>>
      tpu.enqueue_indirect_dma source(%dma_start3A_22 : memref<1000x128xf32, #tpu.memory_space<hbm>>) target(%arg7 : memref<80x128xf32, #tpu.memory_space<vmem>>) offsets(%dma_start3A_19 : memref<80xi32, #tpu.memory_space<vmem>>) semaphore(%arg9 : memref<!tpu.dma_semaphore, #tpu.memory_space<semaphore_mem>>)
      %mul3A_23 = arith.constant 80 : i32
      %mul3A_24 = arith.muli %mul3A_14, %mul3A_23 : i32
      %dma_wait3A = tpu.memref_slice %arg5[%mul3A_24] : memref<1600xi32, #tpu.memory_space<vmem>> -> memref<80xi32, #tpu.memory_space<vmem>>
      %dma_wait3A_25 = arith.constant 0 : i32
      %dma_wait3A_26 = arith.constant 0 : i32
      %dma_wait3A_27 = tpu.memref_slice %arg2[%dma_wait3A_25, %dma_wait3A_26] : memref<1000x128xf32, #tpu.memory_space<hbm>> -> memref<1000x128xf32, #tpu.memory_space<hbm>>
      tpu.wait_indirect_dma semaphore(%arg8 : memref<!tpu.dma_semaphore, #tpu.memory_space<semaphore_mem>>) src(%dma_wait3A_27 : memref<1000x128xf32, #tpu.memory_space<hbm>>) dst(%arg6 : memref<80x128xf32, #tpu.memory_space<vmem>>)
      %mul3A_28 = arith.constant 80 : i32
      %mul3A_29 = arith.muli %mul3A_14, %mul3A_28 : i32
      %add3A_30 = arith.addi %mul3A_2, %mul3A_29 : i32
      "tpu.region"() ({
        %run_scoped3A = tpu.sem_alloc : memref<!tpu.dma_semaphore, #tpu.memory_space<semaphore_mem>>
        %dma_start3A_44 = arith.constant 0 : i32
        %dma_start3A_45 = tpu.memref_slice %arg4[%add3A_30, %dma_start3A_44] : memref<51200x128xf32, #tpu.memory_space<hbm>> -> memref<80x128xf32, #tpu.memory_space<hbm>>
        %dma_start3A_46 = arith.constant 0 : i32
        %dma_start3A_47 = tpu.memref_slice %arg4[%add3A_30, %dma_start3A_46] : memref<51200x128xf32, #tpu.memory_space<hbm>> -> memref<80x128xf32, #tpu.memory_space<hbm>>
        tpu.enqueue_dma source(%arg6 : memref<80x128xf32, #tpu.memory_space<vmem>>) target(%dma_start3A_47 : memref<80x128xf32, #tpu.memory_space<hbm>>) target_semaphore(%run_scoped3A : memref<!tpu.dma_semaphore, #tpu.memory_space<semaphore_mem>>)
        %dma_wait3A_48 = arith.constant 0 : i32
        %dma_wait3A_49 = tpu.memref_slice %arg4[%add3A_30, %dma_wait3A_48] : memref<51200x128xf32, #tpu.memory_space<hbm>> -> memref<80x128xf32, #tpu.memory_space<hbm>>
        %dma_wait3A_50 = arith.constant 0 : i32
        %dma_wait3A_51 = tpu.memref_slice %arg4[%add3A_30, %dma_wait3A_50] : memref<51200x128xf32, #tpu.memory_space<hbm>> -> memref<80x128xf32, #tpu.memory_space<hbm>>
        tpu.wait_dma2 semaphore(%run_scoped3A : memref<!tpu.dma_semaphore, #tpu.memory_space<semaphore_mem>>) src(%arg6 : memref<80x128xf32, #tpu.memory_space<vmem>>) dst(%dma_wait3A_51 : memref<80x128xf32, #tpu.memory_space<hbm>>)
        tpu.yield
      }) : () -> ()
      %lt3A = arith.constant 9 : i32
      %lt3A_31 = arith.cmpi slt, %scan3A_12, %lt3A : i32
      %convert_element_type3A = arith.extui %lt3A_31 : i1 to i32
      %cond3A = arith.constant 0 : i32
      %cond3A_32 = arith.cmpi ne, %convert_element_type3A, %cond3A : i32
      scf.if %cond3A_32 {
        %add3A_44 = arith.constant 2 : i32
        %add3A_45 = arith.addi %mul3A_14, %add3A_44 : i32
        %mul3A_46 = arith.constant 80 : i32
        %mul3A_47 = arith.muli %add3A_45, %mul3A_46 : i32
        %dma_start3A_48 = tpu.memref_slice %arg5[%mul3A_47] : memref<1600xi32, #tpu.memory_space<vmem>> -> memref<80xi32, #tpu.memory_space<vmem>>
        %dma_start3A_49 = arith.constant 0 : i32
        %dma_start3A_50 = arith.constant 0 : i32
        %dma_start3A_51 = tpu.memref_slice %arg2[%dma_start3A_49, %dma_start3A_50] : memref<1000x128xf32, #tpu.memory_space<hbm>> -> memref<1000x128xf32, #tpu.memory_space<hbm>>
        tpu.enqueue_indirect_dma source(%dma_start3A_51 : memref<1000x128xf32, #tpu.memory_space<hbm>>) target(%arg6 : memref<80x128xf32, #tpu.memory_space<vmem>>) offsets(%dma_start3A_48 : memref<80xi32, #tpu.memory_space<vmem>>) semaphore(%arg8 : memref<!tpu.dma_semaphore, #tpu.memory_space<semaphore_mem>>)
      } else {
      }
      %add3A_33 = arith.constant 1 : i32
      %add3A_34 = arith.addi %mul3A_14, %add3A_33 : i32
      %mul3A_35 = arith.constant 80 : i32
      %mul3A_36 = arith.muli %add3A_34, %mul3A_35 : i32
      %dma_wait3A_37 = tpu.memref_slice %arg5[%mul3A_36] : memref<1600xi32, #tpu.memory_space<vmem>> -> memref<80xi32, #tpu.memory_space<vmem>>
      %dma_wait3A_38 = arith.constant 0 : i32
      %dma_wait3A_39 = arith.constant 0 : i32
      %dma_wait3A_40 = tpu.memref_slice %arg2[%dma_wait3A_38, %dma_wait3A_39] : memref<1000x128xf32, #tpu.memory_space<hbm>> -> memref<1000x128xf32, #tpu.memory_space<hbm>>
      tpu.wait_indirect_dma semaphore(%arg9 : memref<!tpu.dma_semaphore, #tpu.memory_space<semaphore_mem>>) src(%dma_wait3A_40 : memref<1000x128xf32, #tpu.memory_space<hbm>>) dst(%arg7 : memref<80x128xf32, #tpu.memory_space<vmem>>)
      %mul3A_41 = arith.constant 80 : i32
      %mul3A_42 = arith.muli %add3A_34, %mul3A_41 : i32
      %add3A_43 = arith.addi %mul3A_2, %mul3A_42 : i32
      "tpu.region"() ({
        %run_scoped3A = tpu.sem_alloc : memref<!tpu.dma_semaphore, #tpu.memory_space<semaphore_mem>>
        %dma_start3A_44 = arith.constant 0 : i32
        %dma_start3A_45 = tpu.memref_slice %arg4[%add3A_43, %dma_start3A_44] : memref<51200x128xf32, #tpu.memory_space<hbm>> -> memref<80x128xf32, #tpu.memory_space<hbm>>
        %dma_start3A_46 = arith.constant 0 : i32
        %dma_start3A_47 = tpu.memref_slice %arg4[%add3A_43, %dma_start3A_46] : memref<51200x128xf32, #tpu.memory_space<hbm>> -> memref<80x128xf32, #tpu.memory_space<hbm>>
        tpu.enqueue_dma source(%arg7 : memref<80x128xf32, #tpu.memory_space<vmem>>) target(%dma_start3A_47 : memref<80x128xf32, #tpu.memory_space<hbm>>) target_semaphore(%run_scoped3A : memref<!tpu.dma_semaphore, #tpu.memory_space<semaphore_mem>>)
        %dma_wait3A_48 = arith.constant 0 : i32
        %dma_wait3A_49 = tpu.memref_slice %arg4[%add3A_43, %dma_wait3A_48] : memref<51200x128xf32, #tpu.memory_space<hbm>> -> memref<80x128xf32, #tpu.memory_space<hbm>>
        %dma_wait3A_50 = arith.constant 0 : i32
        %dma_wait3A_51 = tpu.memref_slice %arg4[%add3A_43, %dma_wait3A_50] : memref<51200x128xf32, #tpu.memory_space<hbm>> -> memref<80x128xf32, #tpu.memory_space<hbm>>
        tpu.wait_dma2 semaphore(%run_scoped3A : memref<!tpu.dma_semaphore, #tpu.memory_space<semaphore_mem>>) src(%arg7 : memref<80x128xf32, #tpu.memory_space<vmem>>) dst(%dma_wait3A_51 : memref<80x128xf32, #tpu.memory_space<hbm>>)
        tpu.yield
      }) : () -> ()
    }
    %scan3A_11 = arith.constant 10 : i32
    return
  }
}

module attributes {stable_mosaic.version = 14 : i64} {
  func.func @_proj_body(%arg0: i32, %arg1: memref<800x128xf32, #tpu.memory_space<vmem>>, %arg2: memref<1000x128xf32, #tpu.memory_space<vmem>>, %arg3: memref<1x1000xf32, #tpu.memory_space<vmem>>, %arg4: memref<16x50x1000xf32, #tpu.memory_space<vmem>>) attributes {dimension_semantics = [#tpu.dimension_semantics<arbitrary>], iteration_bounds = array<i64: 64>, scalar_prefetch = 0 : i64, scratch_operands = 0 : i64, tpu.core_type = #tpu.core_type<tc>, window_params = [{transform_indices = @transform_0, window_bounds = array<i64: 800, 128>}, {pipeline_mode = #tpu.pipeline_mode<synchronous>, transform_indices = @transform_1, window_bounds = array<i64: 1000, 128>}, {pipeline_mode = #tpu.pipeline_mode<synchronous>, transform_indices = @transform_2, window_bounds = array<i64: 1, 1000>}, {transform_indices = @transform_3, window_bounds = array<i64: 16, 50, 1000>}]} {
    %get3A = arith.constant 0 : index
    %get3A_0 = arith.constant 0 : index
    %get3A_1 = vector.load %arg1[%get3A, %get3A_0] : memref<800x128xf32, #tpu.memory_space<vmem>>, vector<800x128xf32>
    %get3A_2 = arith.constant 0 : index
    %get3A_3 = arith.constant 0 : index
    %get3A_4 = vector.load %arg2[%get3A_2, %get3A_3] : memref<1000x128xf32, #tpu.memory_space<vmem>>, vector<1000x128xf32>
    %dot_general3A = arith.constant dense<0.000000e+00> : vector<800x1000xf32>
    %dot_general3A_5 = tpu.matmul %get3A_1, %get3A_4, %dot_general3A {dimension_numbers = #tpu.dot_dimension_numbers<[1], [1], [0], [0], [0, 0, 1, 0], [], []>, transpose_lhs_hint = false} : vector<800x128xf32>, vector<1000x128xf32>, vector<800x1000xf32> -> vector<800x1000xf32>
    %get3A_6 = arith.constant 0 : index
    %get3A_7 = arith.constant 0 : index
    %get3A_8 = vector.load %arg3[%get3A_6, %get3A_7] : memref<1x1000xf32, #tpu.memory_space<vmem>>, vector<1x1000xf32>
    %add3A = vector.broadcast %get3A_8 : vector<1x1000xf32> to vector<800x1000xf32>
    %add3A_9 = arith.addf %dot_general3A_5, %add3A : vector<800x1000xf32>
    %reshape3A = vector.shape_cast %add3A_9 : vector<800x1000xf32> to vector<16x50x1000xf32>
    %swap3A = arith.constant 0 : index
    %swap3A_10 = arith.constant 0 : index
    %swap3A_11 = arith.constant 0 : index
    %swap3A_12 = vector.load %arg4[%swap3A, %swap3A_10, %swap3A_11] : memref<16x50x1000xf32, #tpu.memory_space<vmem>>, vector<16x50x1000xf32>
    tpu.vector_store %arg4[%swap3A, %swap3A_10, %swap3A_11], %reshape3A {strides = array<i32>} : memref<16x50x1000xf32, #tpu.memory_space<vmem>>, vector<16x50x1000xf32>,
    return
  }
  func.func @transform_0(%arg0: i32) -> (i32, i32) {
    %c0_i32 = arith.constant 0 : i32
    %c0_i32_0 = arith.constant 0 : i32
    return %arg0, %c0_i32 : i32, i32
  }
  func.func @transform_1(%arg0: i32) -> (i32, i32) {
    %c0_i32 = arith.constant 0 : i32
    %c0_i32_0 = arith.constant 0 : i32
    %c0_i32_1 = arith.constant 0 : i32
    return %c0_i32, %c0_i32_0 : i32, i32
  }
  func.func @transform_2(%arg0: i32) -> (i32, i32) {
    %c0_i32 = arith.constant 0 : i32
    %c0_i32_0 = arith.constant 0 : i32
    %c0_i32_1 = arith.constant 0 : i32
    return %c0_i32, %c0_i32_0 : i32, i32
  }
  func.func @transform_3(%arg0: i32) -> (i32, i32, i32) {
    %c0_i32 = arith.constant 0 : i32
    %c0_i32_0 = arith.constant 0 : i32
    %c0_i32_1 = arith.constant 0 : i32
    return %arg0, %c0_i32, %c0_i32_0 : i32, i32, i32
  }
}

</mosaic_0001>

<sc_bundles>
// kernel: kernel.4.cloned.1.call-start
scs
__scs_entry_jumppad:
0x0: {  	(pc) =	sbr.rel $0x88, $3  }
0x1: {  	(tag) =	ssettag $0x0;
	lr =	simm.s32 $0x1  }
0x2: {  	[smem:$0x3F9D] =	sst lr;
	_ =	strace $0xD0000000  }
0x3: {  	_ = 	snop  }
0x4: {  	_ = 	snop  }
0x5: {  	_ = 	snop  }
0x6: {  	_ = 	snop  }
0x7: {  	_ = 	snop  }
__scs_overlays_trampoline_lowered:
0x8: {  	[smem:$0x3FAC] =	sst s0  }
0x9: {  	[smem:$0x3FAD] =	sst s1  }
0xa: {  	[smem:$0x3FAE] =	sst s2  }
0xb: {  	[smem:$0x3FAF] =	sst s3  }
0xc: {  	[smem:$0x3FB0] =	sst s4  }
0xd: {  	[smem:$0x3FB1] =	sst s5  }
0xe: {  	[smem:$0x3FB2] =	sst s6  }
0xf: {  	[smem:$0x3FB3] =	sst s7  }
0x10: {  	[smem:$0x3FB4] =	sst s8  }
0x11: {  	[smem:$0x3FB5] =	sst s9;
	s0 =	simm.s32 @!p0 $0x0  }
0x12: {  	s1 =	sld [smem:$0x3F9B];
	s0 =	simm.s32 @p0 $0x1  }
0x13: {  	[smem:$0x3FB6] =	sst s0;
	s0 =	simm.s32 @!p1 $0x0  }
0x14: {  	s2 =	sld [smem:$0x3F9A];
	s0 =	simm.s32 @p1 $0x1  }
0x15: {  	[smem:$0x3FB7] =	sst s0;
	s0 =	simm.s32 @!p2 $0x0  }
0x16: {  	s3 =	sld [smem:$0x3FDB];
	s0 =	simm.s32 @p2 $0x1  }
0x17: {  	s4 =	simm.s32 $0x1BF5;
	[smem:$0x3FB9] =	sst s0  }
0x18: {  	s0 =	sld [smem:$0x3F9C];
	_ =	swait.ge [sflag:s4], $0x0  }
0x19: {  	s7 =	sld [smem:$0x3F9D]  }
0x1a: {  	s8 =	sadd.s32 $0xFFFFE003, lr  }
0x1b: {  	s9 =	sadd.s32 $0xFFFFFEF7, lr;
	s5 =	simm.s32 $0xFFFFFFFF;
	p2 =	slt.u32 s8, $0xFFFFF086  }
0x1c: {  	p1 =	slt.u32 s9, $0xF7A;
	s5 =	simm.s32 @!p2 $0x0  }
0x1d: {  	s5 =	simm.s32 @p1 $0x1;
	p0 =	seq.s32 s7, s2  }
0x1e: {  	s7 =	smul.u32 @!p0 $0xF7A, s2;
	p2 =	seq.s32 @!p0 s5, $0x0  }
0x1f: {  	s9 =	smul.u32 $0xF7A, s1;
	s8 =	simm.s32 @!p0 $0x1BF5;
	p2 =	por !p2, p0  }
0x20: {  	[sflag:s8] =	ssyncset.s32 @!p0 $0xFFFFF086;
	s6 =	sadd.s32 @!p0 s3, s7;
	s7 =	simm.s32 @!p0 $0x108  }
0x21: {  	s3 =	sadd.s32 s3, s9;
	s6 =	sadd.s32 @!p0 $0x88, s6;
	s7 =	simm.s32 @p2 $0x1082  }
0x22: {  	[simem:s7], [sflag:s8] =	dma.local @!p0 [hbm:s6], $0xF7A  }
0x23: {  	s9 =	sor.u32 $0xD0000000, s2;
	s6 =	simm.s32 $0x108;
	_ =	swait.ge @!p0 [sflag:s8], $0x0  }
0x24: {  	s3 =	sadd.s32 $0x88, s3;
	s6 =	simm.s32 @!p1 $0x1082;
	[sflag:s4] =	ssyncset.s32 $0xFFFFF086  }
0x25: {  	[simem:s6], [sflag:s4] =	dma.local [hbm:s3], $0xF7A  }
0x26: {  	[smem:$0x3F9D] =	sst s1;
	(tag) =	ssettag s2;
	_ =	strace s9  }
0x27: {  	s1 =	sld [smem:$0x3FAD]  }
0x28: {  	s2 =	sld [smem:$0x3FAE]  }
0x29: {  	s4 =	sld [smem:$0x3FB0]  }
0x2a: {  	p0 =	seq.s32 s5, $0x0;
	s5 =	sld [smem:$0x3FB1]  }
0x2b: {  	s6 =	sld [smem:$0x3FB2]  }
0x2c: {  	s7 =	sld [smem:$0x3FB3]  }
0x2d: {  	s3 =	simm.s32 $0x108;
	s8 =	sld [smem:$0x3FB4]  }
0x2e: {  	s3 =	simm.s32 @!p0 $0x1082;
	s9 =	sld [smem:$0x3FB5]  }
0x2f: {  	lr =	sadd.s32 s0, s3;
	s0 =	sld [smem:$0x3FAC]  }
0x30: {  	s3 =	sld [smem:$0x3FAF]  }
0x31: {  	[smem:$0x3FB8] =	sst s10  }
0x32: {  	s10 =	sld [smem:$0x3FB6];
	_ =	sdelay $0x3  }
0x33: {  	p0 =	seq.s32 s10, $0x1;
	s10 =	sld [smem:$0x3FB8];
	_ =	sdelay $0x3  }
0x34: {  	[smem:$0x3FB8] =	sst s10  }
0x35: {  	s10 =	sld [smem:$0x3FB7];
	_ =	sdelay $0x3  }
0x36: {  	p1 =	seq.s32 s10, $0x1;
	s10 =	sld [smem:$0x3FB8];
	_ =	sdelay $0x3  }
0x37: {  	[smem:$0x3FB8] =	sst s10  }
0x38: {  	s10 =	sld [smem:$0x3FB9]  }
0x39: {  	_ = 	snop;
	(pc) =	sbr.ind lr, $3  }
0x3a: {  	_ = 	snop  }
0x3b: {  	_ = 	snop  }
0x3c: {  	p2 =	seq.s32 s10, $0x1;
	s10 =	sld [smem:$0x3FB8]  }
0x3d: {  	_ =	shalt  }
0x3e: {  	_ =	shalt  }
0x3f: {  	_ =	shalt  }
0x40: {  	_ =	shalt  }
0x41: {  	_ =	shalt  }
0x42: {  	_ =	shalt  }
0x43: {  	_ =	shalt  }
0x44: {  	_ =	shalt  }
0x45: {  	_ =	shalt  }
0x46: {  	_ =	shalt  }
0x47: {  	_ =	shalt  }
0x48: {  	_ =	shalt  }
0x49: {  	_ =	shalt  }
0x4a: {  	_ =	shalt  }
0x4b: {  	_ =	shalt  }
0x4c: {  	_ =	shalt  }
0x4d: {  	_ =	shalt  }
0x4e: {  	_ =	shalt  }
0x4f: {  	_ =	shalt  }
0x50: {  	_ =	shalt  }
0x51: {  	_ =	shalt  }
0x52: {  	_ =	shalt  }
0x53: {  	_ =	shalt  }
0x54: {  	_ =	shalt  }
0x55: {  	_ =	shalt  }
0x56: {  	_ =	shalt  }
0x57: {  	_ =	shalt  }
0x58: {  	_ =	shalt  }
0x59: {  	_ =	shalt  }
0x5a: {  	_ =	shalt  }
0x5b: {  	_ =	shalt  }
0x5c: {  	_ =	shalt  }
0x5d: {  	_ =	shalt  }
0x5e: {  	_ =	shalt  }
0x5f: {  	_ =	shalt  }
0x60: {  	_ =	shalt  }
0x61: {  	_ =	shalt  }
0x62: {  	_ =	shalt  }
0x63: {  	_ =	shalt  }
0x64: {  	_ =	shalt  }
0x65: {  	_ =	shalt  }
0x66: {  	_ =	shalt  }
0x67: {  	_ =	shalt  }
0x68: {  	_ =	shalt  }
0x69: {  	_ =	shalt  }
0x6a: {  	_ =	shalt  }
0x6b: {  	_ =	shalt  }
0x6c: {  	_ =	shalt  }
0x6d: {  	_ =	shalt  }
0x6e: {  	_ =	shalt  }
0x6f: {  	_ =	shalt  }
0x70: {  	_ =	shalt  }
0x71: {  	_ =	shalt  }
0x72: {  	_ =	shalt  }
0x73: {  	_ =	shalt  }
0x74: {  	_ =	shalt  }
0x75: {  	_ =	shalt  }
0x76: {  	_ =	shalt  }
0x77: {  	_ =	shalt  }
0x78: {  	_ =	shalt  }
0x79: {  	_ =	shalt  }
0x7a: {  	_ =	shalt  }
0x7b: {  	_ =	shalt  }
0x7c: {  	_ =	shalt  }
0x7d: {  	_ =	shalt  }
0x7e: {  	_ =	shalt  }
0x7f: {  	_ =	shalt  }
0x80: {  	_ =	shalt  }
0x81: {  	_ =	shalt  }
0x82: {  	_ =	shalt  }
0x83: {  	_ =	shalt  }
0x84: {  	_ =	shalt  }
0x85: {  	_ =	shalt  }
0x86: {  	_ =	shalt  }
0x87: {  	_ =	shalt  }
.Lfunc_end0:
.L_simem_size_0:
called_computation_lowered:
.L_overlay_start_0:
0x88: {  	s2 =	sld [smem:$0x3FD9]  }
0x89: {  	s3 =	sld [smem:$0x3FFE];
	_ =	sdelay $0x1  }
0x8a: {  	s1 =	srdreg.scid  }
0x8b: {  	s0 =	sand.u32 $0x1, s1  }
0x8c: {  	s17 =	sshll.u32 s0, $0xA;
	s2 =	sadd.s32 s3, s2  }
0x8d: {  	s2 =	sadd.s32 s2, s17  }
0x8e: {  	[smem:$0x3FC4] =	sst s2  }
0x8f: {  	_ = 	snop  }
0x90: {  	s2 =	sld [smem:$0x3FC8]  }
0x91: {  	s18 =	sld [smem:$0x3FD0];
	(tm) =	ssettm $0x1  }
0x92: {  	s4 =	sld [smem:$0x3FFB];
	_ =	sdelay $0x3  }
0x93: {  	_ =	strace s4  }
0x94: {  	s4 =	sld [smem:$0x3FFC];
	_ =	sdelay $0x3  }
0x95: {  	_ =	strace s4  }
0x96: {  	s4 =	sld [smem:$0x3FFD];
	_ =	sdelay $0x3  }
0x97: {  	_ =	strace s4  }
0x98: {  	_ =	strace $0x8FFFFFFF  }
0x99: {  	s19 =	sld [smem:$0x3FDB];
	_ =	sdelay $0x1  }
0x9a: {  	s5 =	simm.s32 $_scs_section_size  }
0x9b: {  	s6 =	simm.s32 $_size__tile_overlayer_lowered;
	s7 =	simm.s32 $_tile_overlayer_lowered  }
0x9c: {  	s22 =	simm.s32 $0x1BFF;
	s21 =	sshll.u32 s7, $0x1;
	s4 =	sadd.s32 s5, s19  }
0x9d: {  	s8 =	simm.s32 $0x0;
	s20 =	sshll.u32 s6, $0x1;
	s6 =	sadd.s32 s21, s4  }
0x9e: {  	[timem:s8], [sflag:s22] =	dma.local [hbm:s6], s20  }
0x9f: {  	_ =	swait.ge [sflag:s22], s20  }
0xa0: {  	s5 =	ssub.s32 $0x0, s20;
	[sflag:s22] =	ssyncset.done $0x0  }
0xa1: {  	[sflag:s22] =	ssyncadd.s32 s5;
	_ =	sdelay $0x1  }
0xa2: {  	s23 =	simm.s32 $0x1B8B  }
0xa3: {  	_ =	swait.ge [sflag:s23], $0x1  }
0xa4: {  	[sflag:s23] =	ssyncset.done $0x0  }
0xa5: {  	s25 =	simm.s32 $0x1B8E;
	s24 =	sld [smem:$0x3FFE];
	[sflag:s23] =	ssyncadd.s32 $0xFFFFFFFF  }
0xa6: {  	s26 =	simm.s32 $execute0_lowered;
	[smem:$0x3FD2] =	sst s25  }
0xa7: {  	s6 =	sshll.u32 s26, $0x1;
	_ =	strace $0x80000046;
	[dreg:$0x1] =	wrdreg $0xFFFFFFFF  }
0xa8: {  	s28 =	simm.s32 $_size_execute0_lowered;
	s4 =	sadd.s32 s4, s6;
	[dreg:$0x0] =	wrdreg $0x0  }
0xa9: {  	s6 =	sshll.u32 s28, $0x1;
	[dreg:$0x2] =	wrdreg s4  }
0xaa: {  	[dreg:$0x3] =	wrdreg s6  }
0xab: {  	[dreg:$0x4] =	wrdreg $0xC0  }
0xac: {  	_ =	task [dreg:s8], $0x5FFFF  }
0xad: {  	[dreg:$0x1] =	wrdreg $0xFFFFFFFF  }
0xae: {  	[dreg:$0x0] =	wrdreg $0x60  }
0xaf: {  	[dreg:$0x2] =	wrdreg s2  }
0xb0: {  	[dreg:$0x3] =	wrdreg s24  }
0xb1: {  	[dreg:$0x4] =	wrdreg s18  }
0xb2: {  	[dreg:$0x5] =	wrdreg $0x9  }
0xb3: {  	_ =	task.clear_ibuf [dreg:s8], $0x6FFFF;
	_ =	strace $0x90000046  }
0xb4: {  	s29 =	simm.s32 $0x9;
	_ =	strace $0x80000048  }
0xb5: {  	_ =	swait.ge [sflag:s29], $0x1  }
0xb6: {  	[sflag:s29] =	ssyncadd.s32 $0xFFFFFFFF  }
0xb7: {  	_ =	strace $0x90000048  }
0xb8: {  	_ =	sfence  }
0xb9: {  	s30 =	sld [smem:$0x0];
	_ =	sdelay $0x2  }
0xba: {  	s31 =	sshll.u32 s1, $0xD;
	s1 =	sshrl.u32 s1, $0x2  }
0xbb: {  	s3 =	sand.u32 $0x4000, s31;
	s1 =	sadd.s32 s1, s30  }
0xbc: {  	s0 =	sor.u32 s3, s0;
	s1 =	sshll.u32 s1, $0x11  }
0xbd: {  	s0 =	sor.u32 s1, s0  }
0xbe: {  	s0 =	sadd.s32 $0x8F2B, s0  }
0xbf: {  	[sflag:s0] =	ssyncadd.remote.s32 $0x1  }
0xc0: {  	_ =	sfence.sel $0xFFFF  }
0xc1: {  	[dreg:$0x0] =	wrdreg $0xFFFFFFFF;
	(pc) =	sbr.abs _section_cstart, $3  }
0xc2: {  	[dreg:$0x1] =	wrdreg $0xFFFFFFFF  }
0xc3: {  	_ =	task.clear_ibuf [dreg:s8], $0x2FFFF;
	_ =	strace $0x9FFFFFFF  }
0xc4: {  	(tm) =	ssettm $0x7FFFFFFF  }
0xc5: {  	_ =	shalt  }
tec
execute0_lowered:
.L_overlay_start_1:
0x0: {  	(tag) =	ssettag $0x1  }
0x1: {  	s1 =	rddreg [dreg:$0x0]  }
0x2: {  	s2 =	srdreg.scid;
	s4 =	rddreg [dreg:$0x1]  }
0x3: {  	s0 =	stileid.u32;
	s8 =	rddreg [dreg:$0x2];
	s3 =	simm.s32 $0x0  }
0x4: {  	s11 =	simm.s32 $0x50;
	s12 =	simm.s32 $0x2E80;
	s13 =	simm.s32 $0x1  }
0x5: {  	s14 =	simm.s32 $0x2;
	s15 =	simm.s32 $0x5F0;
	s16 =	simm.s32 $0x0  }
0x6: {  	s6 =	sand.u32 $0x1, s2;
	s25 =	sshll.u32 s0, $0x1;
	s29 =	smul.u32 $0xC800, s0  }
0x7: {  	s2 =	rddreg [dreg:$0x3];
	s5 =	sor.u32 s6, s25;
	s31 =	smul.u32 $0x6400, s6  }
0x8: {  	[smem:$0x7FF] =	sst s3;
	s9 =	ssub.s32 $0x2, s6;
	s7 =	smul.u32 $0x640, s5  }
0x9: {  	_ =	strace $0x80000047;
	s26 =	sshrl.u32 s9, $0x1;
	s10 =	smul.u32 $0x6400, s5  }
0xa: {  	s28 =	ssub.s32 s9, s26;
	s9 =	simm.s32 $0x3;
	s7 =	sshrl.u32 s7, $0x3  }
0xb: {  	s5 =	smax.u32 s28, $0x1;
	s30 =	sadd.s32 s8, s10;
	s8 =	sadd.s32 s29, s8  }
0xc: {  	s10 =	simm.s32 $0x680;
	s4 =	sadd.s32 s7, s4;
	s6 =	sadd.s32 $0x5A00, s30  }
0xd: {  	s7 =	sadd.s32 $0x5F00, s30;
	s8 =	sadd.s32 s31, s8;
	s4 =	sadd.s32 $0x800, s4  }
.LBB2_1:
0xe: {  	[tilespmem:s3], [sflag:$0x3] =	stream.linear.gather [hbm4b:s4+s3], $0x640, $0x38;
	[tilespmem:$0x5680] =	vst v63  }
0xf: {  	_ =	swait.ge [sflag:s9], $0x640  }
0x10: {  	[sflag:s9] =	ssyncset.done $0x0  }
0x11: {  	[sflag:s9] =	ssyncadd.s32 $0xFFFFF9C0  }
0x12: {  	[tilespmem:s10], [sflag:$0x1] =	stream.indirect.gather [hbm4b:s1+s11], $0x80, s3, s11, $0xb8;
	[tilespmem:$0x5680] =	vst v63  }
0x13: {  	_ = 	snop  }
0x14: {  	[tilespmem:s12], [sflag:$0x2] =	stream.indirect.gather [hbm4b:s1+s11], $0x80, s11, s11, $0xb8;
	[tilespmem:$0x5680] =	vst v63  }
0x15: {  	_ =	swait.ge [sflag:s13], $0x2800  }
0x16: {  	[sflag:s13] =	ssyncset.done $0x0  }
0x17: {  	s17 =	sadd.s32 $0x0, s8;
	[sflag:s13] =	ssyncadd.s32 $0xFFFFD800  }
0x18: {  	[hbm4b:s17+s3] =	stream.linear.scatter [tilespmem:s10], [sflag:$0x3], $0x2800, $0x38;
	[tilespmem:$0x5680] =	vst v63  }
0x19: {  	_ =	swait.ge [sflag:s9], $0x2800  }
0x1a: {  	[sflag:s9] =	ssyncset.done $0x0  }
0x1b: {  	s18 =	simm.s32 $0xA0;
	[sflag:s9] =	ssyncadd.s32 $0xFFFFD800  }
0x1c: {  	[tilespmem:s10], [sflag:$0x1] =	stream.indirect.gather [hbm4b:s1+s11], $0x80, s18, s11, $0xb8;
	[tilespmem:$0x5680] =	vst v63  }
0x1d: {  	_ =	swait.ge [sflag:s14], $0x2800  }
0x1e: {  	[sflag:s14] =	ssyncset.done $0x0  }
0x1f: {  	s17 =	sadd.s32 $0x500, s17;
	[sflag:s14] =	ssyncadd.s32 $0xFFFFD800  }
0x20: {  	[hbm4b:s17+s3] =	stream.linear.scatter [tilespmem:s12], [sflag:$0x3], $0x2800, $0x38;
	[tilespmem:$0x5680] =	vst v63  }
0x21: {  	_ =	swait.ge [sflag:s9], $0x2800  }
0x22: {  	s18 =	simm.s32 $0x50;
	s17 =	simm.s32 $0xA00;
	[sflag:s9] =	ssyncset.done $0x0  }
.LBB2_2:
0x23: {  	p0 =	sne.s32 s17, $0x5000;
	[sflag:s9] =	ssyncadd.s32 $0xFFFFD800;
	s18 =	sadd.s32 $0xA0, s18  }
0x24: {  	[tilespmem:s12], [sflag:$0x2] =	stream.indirect.gather [hbm4b:s1+s11], $0x80, s18, s11, $0xb8;
	[tilespmem:$0x5680] =	vst v63  }
0x25: {  	s19 =	smov.u32 s17;
	s17 =	sadd.s32 $0xA00, s17;
	_ =	swait.ge [sflag:s13], $0x2800  }
0x26: {  	[sflag:s13] =	ssyncset.done $0x0  }
0x27: {  	s19 =	sadd.s32 s19, s8;
	[sflag:s13] =	ssyncadd.s32 $0xFFFFD800  }
0x28: {  	[hbm4b:s19+s3] =	stream.linear.scatter [tilespmem:s10], [sflag:$0x3], $0x2800, $0x38;
	[tilespmem:$0x5680] =	vst v63  }
0x29: {  	_ =	swait.ge [sflag:s9], $0x2800  }
0x2a: {  	[sflag:s9] =	ssyncset.done $0x0  }
0x2b: {  	s20 =	sadd.s32 $0x50, s18;
	[sflag:s9] =	ssyncadd.s32 $0xFFFFD800  }
0x2c: {  	[tilespmem:s10], [sflag:$0x1] =	stream.indirect.gather [hbm4b:s1+s11], $0x80, s20, s11, $0xb8;
	[tilespmem:$0x5680] =	vst v63  }
0x2d: {  	_ =	swait.ge [sflag:s14], $0x2800  }
.Ltmp0:
0x2e: {  	[sflag:s14] =	ssyncset.done $0x0;
	(pc) =	sbr.rel @p0 .LBB2_2-.Ltmp0, $4  }
0x2f: {  	s19 =	sadd.s32 $0x500, s19;
	[sflag:s14] =	ssyncadd.s32 $0xFFFFD800  }
0x30: {  	[hbm4b:s19+s3] =	stream.linear.scatter [tilespmem:s12], [sflag:$0x3], $0x2800, $0x38;
	[tilespmem:$0x5680] =	vst v63  }
0x31: {  	_ =	swait.ge [sflag:s9], $0x2800  }
0x32: {  	[sflag:s9] =	ssyncset.done $0x0  }
0x33: {  	[sflag:s9] =	ssyncadd.s32 $0xFFFFD800  }
0x34: {  	[tilespmem:s12], [sflag:$0x2] =	stream.indirect.gather [hbm4b:s1+s11], $0x80, s15, s11, $0xb8;
	[tilespmem:$0x5680] =	vst v63  }
0x35: {  	_ =	swait.ge [sflag:s13], $0x2800  }
0x36: {  	[sflag:s13] =	ssyncset.done $0x0  }
0x37: {  	[sflag:s13] =	ssyncadd.s32 $0xFFFFD800  }
0x38: {  	[hbm4b:s6+s3] =	stream.linear.scatter [tilespmem:s10], [sflag:$0x3], $0x2800, $0x38;
	[tilespmem:$0x5680] =	vst v63  }
0x39: {  	_ =	swait.ge [sflag:s9], $0x2800  }
0x3a: {  	[sflag:s9] =	ssyncset.done $0x0  }
0x3b: {  	[sflag:s9] =	ssyncadd.s32 $0xFFFFD800  }
0x3c: {  	s16 =	sadd.s32 $0x1, s16;
	_ =	swait.ge [sflag:s14], $0x2800  }
0x3d: {  	p0 =	sne.s32 s16, s5;
	[sflag:s14] =	ssyncset.done $0x0  }
.Ltmp1:
0x3e: {  	[sflag:s14] =	ssyncadd.s32 $0xFFFFD800;
	(pc) =	sbr.rel @p0 .LBB2_1-.Ltmp1, $4  }
0x3f: {  	[hbm4b:s7+s3] =	stream.linear.scatter [tilespmem:s12], [sflag:$0x3], $0x2800, $0x38;
	[tilespmem:$0x5680] =	vst v63  }
0x40: {  	_ =	swait.ge [sflag:s9], $0x2800  }
0x41: {  	[sflag:s9] =	ssyncset.done $0x0  }
0x42: {  	[sflag:s9] =	ssyncadd.s32 $0xFFFFD800  }
0x43: {  	_ =	sfence.sel $0x180000  }
0x44: {  	[bflag:$0x0] =	sbarrier.arrive $0xFFFF  }
0x45: {  	p0 =	sne.s32 s0, $0x0;
	_ =	strace $0x90000047  }
0x46: {  	s0 =	sadd.s32 @!p0 $0x100000, s2;
	[bflag:$0x2] =	sbarrier.arrive $0xFFFF  }
0x47: {  	[sflag:s0] =	ssyncadd.tile.s32 @!p0 $0x1;
	_ =	shalt  }
.Lfunc_end2:
_tile_overlayer_lowered:
.L_overlay_start_2:
0x48: {  	(tag) =	ssettag $0x2  }
0x49: {  	s0 =	rddreg [dreg:$0x0];
	s2 =	stileid.u32  }
0x4a: {  	s1 =	rddreg [dreg:$0x1];
	p0 =	sne.s32 s2, $0x0  }
0x4b: {  	s3 =	rddreg [dreg:$0x2];
	[bflag:$0x3] =	sbarrier.arrive $0xFFFF;
	s2 =	simm.s32 @!p0 $0x1C03  }
0x4c: {  	[timem:s3], [sflag:s2] =	dma.local @!p0 [hbm:s0], s1  }
0x4d: {  	s0 =	simm.s32 @!p0 $0x3  }
0x4e: {  	_ =	swait.ge @!p0 [sflag:s0], s1  }
0x4f: {  	s1 =	ssub.s32 @!p0 $0x0, s1;
	[sflag:s0] =	ssyncset.done @!p0 $0x0  }
0x50: {  	[sflag:s0] =	ssyncadd.s32 @!p0 s1  }
0x51: {  	[bflag:$0x3] =	sbarrier.arrive $0xFFFF  }
0x52: {  	_ =	shalt  }

</sc_bundles>
